<compile_context>
chip_gen: v7x
topology: tpu7x:2x2x1
jax: 0.10.2.dev20260603
libtpu: 0.0.44.dev20260713+nightly
codegen_flags: <defaults>
</compile_context>

<pallas_src>
import functools

import jax
import jax.numpy as jnp
from jax import lax
from jax.experimental import pallas as pl
from jax.experimental.pallas import tpu as pltpu
from jax.experimental.pallas import tpu_sc as plsc

M = 65536
B = 256
LANES = 16
N_WORKERS = B // LANES
ROWS = 16


def _sc_gather_result(pc, sp, memory):
    mesh = plsc.VectorSubcoreMesh(
        core_axis_name="c", subcore_axis_name="s", num_cores=1
    )
    nc = 1

    @functools.partial(
        pl.kernel,
        mesh=mesh,
        out_type=jax.ShapeDtypeStruct((B,), jnp.float32),
        scratch_types=[
            pltpu.VMEM((LANES,), jnp.int32),
            pltpu.VMEM((LANES,), jnp.int32),
            pltpu.VMEM((LANES,), jnp.float32),
            pltpu.VMEM((LANES,), jnp.float32),
            pltpu.VMEM((LANES,), jnp.float32),
            pltpu.SemaphoreType.DMA,
            pltpu.SemaphoreType.DMA,
        ],
    )
    def k(pc_hbm, sp_hbm, mem_hbm, out_hbm, pc_v, sp_v, instr_v, stk_v, res_v,
          sem_a, sem_b):
        wid = lax.axis_index("s") * nc + lax.axis_index("c")

        @pl.when(wid < N_WORKERS)
        def _():
            base = wid * LANES
            cp_pc = pltpu.async_copy(pc_hbm.at[pl.ds(base, LANES)], pc_v, sem_a)
            cp_sp = pltpu.async_copy(sp_hbm.at[pl.ds(base, LANES)], sp_v, sem_b)
            cp_pc.wait()
            cp_sp.wait()
            g_pc = pltpu.async_copy(mem_hbm.at[pc_v], instr_v, sem_a)
            g_sp = pltpu.async_copy(mem_hbm.at[sp_v], stk_v, sem_b)
            g_pc.wait()
            g_sp.wait()
            instr = instr_v[...]
            y = instr * (1.0 / 256.0)
            t = y.astype(jnp.int32).astype(jnp.float32)
            imm = jnp.where(t > y, t - 1.0, t)
            res_v[...] = stk_v[...] + imm
            pltpu.sync_copy(res_v, out_hbm.at[pl.ds(base, LANES)])

    return k(pc, sp, memory)


def _tc_broadcast(memory2d, sp2d, result2d):

    def body(mem_ref, sp_ref, res_ref, out_ref):
        cols = lax.broadcasted_iota(jnp.int32, (ROWS, M), 1)
        out_ref[...] = jnp.where(cols == sp_ref[...], res_ref[...], mem_ref[...])

    return pl.pallas_call(
        body,
        grid=(B // ROWS,),
        in_specs=[
            pl.BlockSpec((1, M), lambda i: (0, 0)),
            pl.BlockSpec((ROWS, 1), lambda i: (i, 0)),
            pl.BlockSpec((ROWS, 1), lambda i: (i, 0)),
        ],
        out_specs=pl.BlockSpec((ROWS, M), lambda i: (i, 0)),
        out_shape=jax.ShapeDtypeStruct((B, M), jnp.float32),
    )(memory2d, sp2d, result2d)


def kernel(pc, sp, bp, ax, memory):
    pc = pc.astype(jnp.int32)
    sp = sp.astype(jnp.int32)
    result = _sc_gather_result(pc, sp, memory)
    return _tc_broadcast(
        memory.reshape(1, M), sp.reshape(B, 1), result.reshape(B, 1)
    )

# --- scband reference (transcript-rebuilt; emitter-appended) ---
"""Pipeline reference for scband-c4-hierarchical-executor-62380105007265 (READ-ONLY COPY).

The authoritative reference and input builder live on the scoring server;
editing this copy changes nothing except your own understanding.
"""

import jax, jax.numpy as jnp
import numpy as np
import math

M = 65536
B = 256
NUM_BITS = 16  # ceil(log2(65536))
SCALE = 10.0   # HierarchicalMemory(memory_size, scale=10.0) in executor __init__


def _encode(x):
    # BinaryEncoder.encode: bits in {-SCALE, +SCALE}
    powers = 2 ** jnp.arange(NUM_BITS)
    bits = (x.astype(jnp.int64)[..., None] // powers) % 2
    return (2.0 * bits.astype(jnp.float32) - 1.0) * SCALE


def setup_inputs(seed: int = 0) -> dict:
    key = jax.random.key(seed)
    k1, k2, k3, k4, k5 = jax.random.split(key, 5)
    memory = jax.random.normal(k1, (M,), dtype=jnp.float32)
    pc = jax.random.randint(k2, (B,), 0, M)
    sp = jax.random.randint(k3, (B,), 0, M)
    bp = jax.random.randint(k4, (B,), 0, M)
    ax = jax.random.normal(k5, (B,), dtype=jnp.float32)
    return {"pc": pc, "sp": sp, "bp": bp, "ax": ax, "memory": memory}


def _read(memory, addr, all_keys):
    # HierarchicalAttention.attend_full with binary encoding, batched over addresses
    q = _encode(addr)                                   # [B, NUM_BITS]
    scores = q @ all_keys.T / math.sqrt(NUM_BITS)        # [B, M]
    w = jax.nn.softmax(scores, axis=-1)
    return w @ memory                                    # [B]


def reference(pc, sp, bp, ax, memory):
    # all_keys buffer: encode all addresses (registered buffer in torch)
    all_keys = _encode(jnp.arange(M))                    # [M, NUM_BITS]

    # fetch: instruction = mem.read(memory, pc)
    instruction = _read(memory, pc, all_keys)            # [B]

    # HardwiredDecode: imm = floor(instr/256); opcode = instr - 256*imm
    imm = jnp.floor(instruction * (1.0 / 256.0))
    opcode = instruction - imm * 256.0

    # stack_top = mem.read(memory, sp)
    stack_top = _read(memory, sp, all_keys)              # [B]

    # expert result (truncated in source; ADD-style default): result = stack_top + imm
    result = stack_top + imm + 0.0 * ax + 0.0 * opcode

    # HierarchicalMemory.write(memory, sp, result): soft scatter via softmax weights
    q_w = _encode(sp)                                    # [B, NUM_BITS]
    scores_w = q_w @ all_keys.T / math.sqrt(NUM_BITS)    # [B, M]
    w = jax.nn.softmax(scores_w, axis=-1)                # write_enable = 1.0
    new_memory = memory[None, :] * (1.0 - w) + result[:, None] * w  # [B, M]
    return new_memory

if __name__ == "__main__":
    import jax
    _d = setup_inputs()
    print(jax.jit(kernel)(*tuple(_d.values())))

</pallas_src>

<mosaic_0001>
#map = affine_map<(d0, d1) -> (0)>
module attributes {stable_mosaic.version = 14 : i64} {
  func.func @k(%arg0: i32, %arg1: i32, %arg2: memref<256xi32, #tpu.memory_space<hbm>>, %arg3: memref<256xi32, #tpu.memory_space<hbm>>, %arg4: memref<65536xf32, #tpu.memory_space<hbm>>, %arg5: memref<256xf32, #tpu.memory_space<hbm>>, %arg6: memref<16xi32, #tpu.memory_space<vmem>>, %arg7: memref<16xi32, #tpu.memory_space<vmem>>, %arg8: memref<16xf32, #tpu.memory_space<vmem>>, %arg9: memref<16xf32, #tpu.memory_space<vmem>>, %arg10: memref<16xf32, #tpu.memory_space<vmem>>, %arg11: memref<!tpu.dma_semaphore, #tpu.memory_space<semaphore_mem>>, %arg12: memref<!tpu.dma_semaphore, #tpu.memory_space<semaphore_mem>>) attributes {dimension_semantics = [#tpu.dimension_semantics<core_parallel>, #tpu.dimension_semantics<subcore_parallel>], iteration_bounds = array<i64: 1, 16>, scalar_prefetch = 0 : i64, scratch_operands = 7 : i64, tpu.core_type = #tpu.core_type<sc_vector_subcore>, window_params = [{transform_indices = #map}, {transform_indices = #map}, {transform_indices = #map}, {transform_indices = #map}]} {
    %mul3A = arith.constant 1 : i32
    %mul3A_0 = arith.muli %arg1, %mul3A : i32
    %add3A = arith.addi %mul3A_0, %arg0 : i32
    %lt3A = arith.constant 16 : i32
    %lt3A_1 = arith.cmpi slt, %add3A, %lt3A : i32
    %convert_element_type3A = arith.extui %lt3A_1 : i1 to i32
    %cond3A = arith.constant 0 : i32
    %cond3A_2 = arith.cmpi ne, %convert_element_type3A, %cond3A : i32
    scf.if %cond3A_2 {
      %mul3A_3 = arith.constant 16 : i32
      %mul3A_4 = arith.muli %add3A, %mul3A_3 : i32
      %dma_start3A = tpu.memref_slice %arg2[%mul3A_4] : memref<256xi32, #tpu.memory_space<hbm>> -> memref<16xi32, #tpu.memory_space<hbm>>
      %dma_start3A_5 = tpu.memref_slice %arg2[%mul3A_4] : memref<256xi32, #tpu.memory_space<hbm>> -> memref<16xi32, #tpu.memory_space<hbm>>
      tpu.enqueue_dma source(%dma_start3A_5 : memref<16xi32, #tpu.memory_space<hbm>>) target(%arg6 : memref<16xi32, #tpu.memory_space<vmem>>) target_semaphore(%arg11 : memref<!tpu.dma_semaphore, #tpu.memory_space<semaphore_mem>>)
      %dma_start3A_6 = tpu.memref_slice %arg3[%mul3A_4] : memref<256xi32, #tpu.memory_space<hbm>> -> memref<16xi32, #tpu.memory_space<hbm>>
      %dma_start3A_7 = tpu.memref_slice %arg3[%mul3A_4] : memref<256xi32, #tpu.memory_space<hbm>> -> memref<16xi32, #tpu.memory_space<hbm>>
      tpu.enqueue_dma source(%dma_start3A_7 : memref<16xi32, #tpu.memory_space<hbm>>) target(%arg7 : memref<16xi32, #tpu.memory_space<vmem>>) target_semaphore(%arg12 : memref<!tpu.dma_semaphore, #tpu.memory_space<semaphore_mem>>)
      %dma_wait3A = tpu.memref_slice %arg2[%mul3A_4] : memref<256xi32, #tpu.memory_space<hbm>> -> memref<16xi32, #tpu.memory_space<hbm>>
      %dma_wait3A_8 = tpu.memref_slice %arg2[%mul3A_4] : memref<256xi32, #tpu.memory_space<hbm>> -> memref<16xi32, #tpu.memory_space<hbm>>
      tpu.wait_dma2 semaphore(%arg11 : memref<!tpu.dma_semaphore, #tpu.memory_space<semaphore_mem>>) src(%dma_wait3A_8 : memref<16xi32, #tpu.memory_space<hbm>>) dst(%arg6 : memref<16xi32, #tpu.memory_space<vmem>>)
      %dma_wait3A_9 = tpu.memref_slice %arg3[%mul3A_4] : memref<256xi32, #tpu.memory_space<hbm>> -> memref<16xi32, #tpu.memory_space<hbm>>
      %dma_wait3A_10 = tpu.memref_slice %arg3[%mul3A_4] : memref<256xi32, #tpu.memory_space<hbm>> -> memref<16xi32, #tpu.memory_space<hbm>>
      tpu.wait_dma2 semaphore(%arg12 : memref<!tpu.dma_semaphore, #tpu.memory_space<semaphore_mem>>) src(%dma_wait3A_10 : memref<16xi32, #tpu.memory_space<hbm>>) dst(%arg7 : memref<16xi32, #tpu.memory_space<vmem>>)
      %dma_start3A_11 = arith.constant 0 : i32
      %dma_start3A_12 = tpu.memref_slice %arg4[%dma_start3A_11] : memref<65536xf32, #tpu.memory_space<hbm>> -> memref<65536xf32, #tpu.memory_space<hbm>>
      tpu.enqueue_indirect_dma source(%dma_start3A_12 : memref<65536xf32, #tpu.memory_space<hbm>>) target(%arg8 : memref<16xf32, #tpu.memory_space<vmem>>) offsets(%arg6 : memref<16xi32, #tpu.memory_space<vmem>>) semaphore(%arg11 : memref<!tpu.dma_semaphore, #tpu.memory_space<semaphore_mem>>)
      %dma_start3A_13 = arith.constant 0 : i32
      %dma_start3A_14 = tpu.memref_slice %arg4[%dma_start3A_13] : memref<65536xf32, #tpu.memory_space<hbm>> -> memref<65536xf32, #tpu.memory_space<hbm>>
      tpu.enqueue_indirect_dma source(%dma_start3A_14 : memref<65536xf32, #tpu.memory_space<hbm>>) target(%arg9 : memref<16xf32, #tpu.memory_space<vmem>>) offsets(%arg7 : memref<16xi32, #tpu.memory_space<vmem>>) semaphore(%arg12 : memref<!tpu.dma_semaphore, #tpu.memory_space<semaphore_mem>>)
      %dma_wait3A_15 = arith.constant 0 : i32
      %dma_wait3A_16 = tpu.memref_slice %arg4[%dma_wait3A_15] : memref<65536xf32, #tpu.memory_space<hbm>> -> memref<65536xf32, #tpu.memory_space<hbm>>
      tpu.wait_indirect_dma semaphore(%arg11 : memref<!tpu.dma_semaphore, #tpu.memory_space<semaphore_mem>>) src(%dma_wait3A_16 : memref<65536xf32, #tpu.memory_space<hbm>>) dst(%arg8 : memref<16xf32, #tpu.memory_space<vmem>>)
      %dma_wait3A_17 = arith.constant 0 : i32
      %dma_wait3A_18 = tpu.memref_slice %arg4[%dma_wait3A_17] : memref<65536xf32, #tpu.memory_space<hbm>> -> memref<65536xf32, #tpu.memory_space<hbm>>
      tpu.wait_indirect_dma semaphore(%arg12 : memref<!tpu.dma_semaphore, #tpu.memory_space<semaphore_mem>>) src(%dma_wait3A_18 : memref<65536xf32, #tpu.memory_space<hbm>>) dst(%arg9 : memref<16xf32, #tpu.memory_space<vmem>>)
      %get3A = arith.constant 0 : index
      %get3A_19 = tpu.vector_load %arg8[%get3A] {strides = array<i32>} : memref<16xf32, #tpu.memory_space<vmem>>, vector<16xf32>,
      %get3A_20 = vector.shape_cast %get3A_19 : vector<16xf32> to vector<16xf32>
      %mul3A_21 = arith.constant 3.906250e-03 : f32
      %mul3A_22 = vector.broadcast %mul3A_21 : f32 to vector<16xf32>
      %mul3A_23 = arith.mulf %get3A_20, %mul3A_22 : vector<16xf32>
      %convert_element_type3A_24 = arith.fptosi %mul3A_23 : vector<16xf32> to vector<16xi32>
      %convert_element_type3A_25 = arith.sitofp %convert_element_type3A_24 : vector<16xi32> to vector<16xf32>
      %gt3A = arith.cmpf ogt, %convert_element_type3A_25, %mul3A_23 : vector<16xf32>
      %sub3A = arith.constant 1.000000e+00 : f32
      %sub3A_26 = vector.broadcast %sub3A : f32 to vector<16xf32>
      %sub3A_27 = arith.subf %convert_element_type3A_25, %sub3A_26 : vector<16xf32>
      %select_n3A = arith.select %gt3A, %sub3A_27, %convert_element_type3A_25 : vector<16xi1>, vector<16xf32>
      %get3A_28 = arith.constant 0 : index
      %get3A_29 = tpu.vector_load %arg9[%get3A_28] {strides = array<i32>} : memref<16xf32, #tpu.memory_space<vmem>>, vector<16xf32>,
      %get3A_30 = vector.shape_cast %get3A_29 : vector<16xf32> to vector<16xf32>
      %add3A_31 = arith.addf %get3A_30, %select_n3A : vector<16xf32>
      %swap3A = arith.constant 0 : index
      %swap3A_32 = tpu.vector_load %arg10[%swap3A] {strides = array<i32>} : memref<16xf32, #tpu.memory_space<vmem>>, vector<16xf32>,
      %swap3A_33 = vector.shape_cast %swap3A_32 : vector<16xf32> to vector<16xf32>
      %swap3A_34 = vector.shape_cast %add3A_31 : vector<16xf32> to vector<16xf32>
      tpu.vector_store %arg10[%swap3A], %swap3A_34 {strides = array<i32>} : memref<16xf32, #tpu.memory_space<vmem>>, vector<16xf32>,
      "tpu.region"() ({
        %run_scoped3A = tpu.sem_alloc : memref<!tpu.dma_semaphore, #tpu.memory_space<semaphore_mem>>
        %dma_start3A_35 = tpu.memref_slice %arg5[%mul3A_4] : memref<256xf32, #tpu.memory_space<hbm>> -> memref<16xf32, #tpu.memory_space<hbm>>
        %dma_start3A_36 = tpu.memref_slice %arg5[%mul3A_4] : memref<256xf32, #tpu.memory_space<hbm>> -> memref<16xf32, #tpu.memory_space<hbm>>
        tpu.enqueue_dma source(%arg10 : memref<16xf32, #tpu.memory_space<vmem>>) target(%dma_start3A_36 : memref<16xf32, #tpu.memory_space<hbm>>) target_semaphore(%run_scoped3A : memref<!tpu.dma_semaphore, #tpu.memory_space<semaphore_mem>>)
        %dma_wait3A_37 = tpu.memref_slice %arg5[%mul3A_4] : memref<256xf32, #tpu.memory_space<hbm>> -> memref<16xf32, #tpu.memory_space<hbm>>
        %dma_wait3A_38 = tpu.memref_slice %arg5[%mul3A_4] : memref<256xf32, #tpu.memory_space<hbm>> -> memref<16xf32, #tpu.memory_space<hbm>>
        tpu.wait_dma2 semaphore(%run_scoped3A : memref<!tpu.dma_semaphore, #tpu.memory_space<semaphore_mem>>) src(%arg10 : memref<16xf32, #tpu.memory_space<vmem>>) dst(%dma_wait3A_38 : memref<16xf32, #tpu.memory_space<hbm>>)
        tpu.yield
      }) : () -> ()
    } else {
    }
    return
  }
}

module attributes {stable_mosaic.version = 14 : i64} {
  func.func @body(%arg0: i32, %arg1: memref<1x65536xf32, #tpu.memory_space<vmem>>, %arg2: memref<16x1xi32, #tpu.memory_space<vmem>>, %arg3: memref<16x1xf32, #tpu.memory_space<vmem>>, %arg4: memref<16x65536xf32, #tpu.memory_space<vmem>>) attributes {dimension_semantics = [#tpu.dimension_semantics<arbitrary>], iteration_bounds = array<i64: 16>, scalar_prefetch = 0 : i64, scratch_operands = 0 : i64, tpu.core_type = #tpu.core_type<tc>, window_params = [{pipeline_mode = #tpu.pipeline_mode<synchronous>, transform_indices = @transform_0, window_bounds = array<i64: 1, 65536>}, {transform_indices = @transform_1, window_bounds = array<i64: 16, 1>}, {transform_indices = @transform_2, window_bounds = array<i64: 16, 1>}, {transform_indices = @transform_3, window_bounds = array<i64: 16, 65536>}]} {
    %iota3A = tpu.iota {dimensions = array<i32: 1>} : vector<16x65536xi32>
    %get3A = arith.constant 0 : index
    %get3A_0 = arith.constant 0 : index
    %get3A_1 = vector.load %arg2[%get3A, %get3A_0] : memref<16x1xi32, #tpu.memory_space<vmem>>, vector<16x1xi32>
    %eq3A = vector.broadcast %get3A_1 : vector<16x1xi32> to vector<16x65536xi32>
    %eq3A_2 = arith.cmpi eq, %iota3A, %eq3A : vector<16x65536xi32>
    %get3A_3 = arith.constant 0 : index
    %get3A_4 = arith.constant 0 : index
    %get3A_5 = vector.load %arg3[%get3A_3, %get3A_4] : memref<16x1xf32, #tpu.memory_space<vmem>>, vector<16x1xf32>
    %get3A_6 = arith.constant 0 : index
    %get3A_7 = arith.constant 0 : index
    %get3A_8 = vector.load %arg1[%get3A_6, %get3A_7] : memref<1x65536xf32, #tpu.memory_space<vmem>>, vector<1x65536xf32>
    %broadcast_in_dim3A = vector.shape_cast %get3A_5 : vector<16x1xf32> to vector<16x1xf32>
    %broadcast_in_dim3A_9 = vector.broadcast %broadcast_in_dim3A : vector<16x1xf32> to vector<16x65536xf32>
    %broadcast_in_dim3A_10 = vector.shape_cast %get3A_8 : vector<1x65536xf32> to vector<1x65536xf32>
    %broadcast_in_dim3A_11 = vector.broadcast %broadcast_in_dim3A_10 : vector<1x65536xf32> to vector<16x65536xf32>
    %select_n3A = arith.select %eq3A_2, %broadcast_in_dim3A_9, %broadcast_in_dim3A_11 : vector<16x65536xi1>, vector<16x65536xf32>
    %swap3A = arith.constant 0 : index
    %swap3A_12 = arith.constant 0 : index
    %swap3A_13 = vector.load %arg4[%swap3A, %swap3A_12] : memref<16x65536xf32, #tpu.memory_space<vmem>>, vector<16x65536xf32>
    tpu.vector_store %arg4[%swap3A, %swap3A_12], %select_n3A {strides = array<i32>} : memref<16x65536xf32, #tpu.memory_space<vmem>>, vector<16x65536xf32>,
    return
  }
  func.func @transform_0(%arg0: i32) -> (i32, i32) {
    %c0_i32 = arith.constant 0 : i32
    %c0_i32_0 = arith.constant 0 : i32
    %c0_i32_1 = arith.constant 0 : i32
    return %c0_i32, %c0_i32_0 : i32, i32
  }
  func.func @transform_1(%arg0: i32) -> (i32, i32) {
    %c0_i32 = arith.constant 0 : i32
    %c0_i32_0 = arith.constant 0 : i32
    return %arg0, %c0_i32 : i32, i32
  }
  func.func @transform_2(%arg0: i32) -> (i32, i32) {
    %c0_i32 = arith.constant 0 : i32
    %c0_i32_0 = arith.constant 0 : i32
    return %arg0, %c0_i32 : i32, i32
  }
  func.func @transform_3(%arg0: i32) -> (i32, i32) {
    %c0_i32 = arith.constant 0 : i32
    %c0_i32_0 = arith.constant 0 : i32
    return %arg0, %c0_i32 : i32, i32
  }
}

</mosaic_0001>

<sc_bundles>
// kernel: kernel.4.cloned.1.call-start
scs
__scs_entry_jumppad:
0x0: {  	(pc) =	sbr.rel $0x88, $3  }
0x1: {  	(tag) =	ssettag $0x0;
	lr =	simm.s32 $0x1  }
0x2: {  	[smem:$0x3F9E] =	sst lr;
	_ =	strace $0xD0000000  }
0x3: {  	_ = 	snop  }
0x4: {  	_ = 	snop  }
0x5: {  	_ = 	snop  }
0x6: {  	_ = 	snop  }
0x7: {  	_ = 	snop  }
__scs_overlays_trampoline_lowered:
0x8: {  	[smem:$0x3FAD] =	sst s0  }
0x9: {  	[smem:$0x3FAE] =	sst s1  }
0xa: {  	[smem:$0x3FAF] =	sst s2  }
0xb: {  	[smem:$0x3FB0] =	sst s3  }
0xc: {  	[smem:$0x3FB1] =	sst s4  }
0xd: {  	[smem:$0x3FB2] =	sst s5  }
0xe: {  	[smem:$0x3FB3] =	sst s6  }
0xf: {  	[smem:$0x3FB4] =	sst s7  }
0x10: {  	[smem:$0x3FB5] =	sst s8  }
0x11: {  	[smem:$0x3FB6] =	sst s9;
	s0 =	simm.s32 @!p0 $0x0  }
0x12: {  	s1 =	sld [smem:$0x3F9C];
	s0 =	simm.s32 @p0 $0x1  }
0x13: {  	[smem:$0x3FB7] =	sst s0;
	s0 =	simm.s32 @!p1 $0x0  }
0x14: {  	s2 =	sld [smem:$0x3F9B];
	s0 =	simm.s32 @p1 $0x1  }
0x15: {  	[smem:$0x3FB8] =	sst s0;
	s0 =	simm.s32 @!p2 $0x0  }
0x16: {  	s3 =	sld [smem:$0x3FDB];
	s0 =	simm.s32 @p2 $0x1  }
0x17: {  	s4 =	simm.s32 $0x1BF5;
	[smem:$0x3FBA] =	sst s0  }
0x18: {  	s0 =	sld [smem:$0x3F9D];
	_ =	swait.ge [sflag:s4], $0x0  }
0x19: {  	s7 =	sld [smem:$0x3F9E]  }
0x1a: {  	s8 =	sadd.s32 $0xFFFFE003, lr  }
0x1b: {  	s9 =	sadd.s32 $0xFFFFFEF7, lr;
	s5 =	simm.s32 $0xFFFFFFFF;
	p2 =	slt.u32 s8, $0xFFFFF086  }
0x1c: {  	p1 =	slt.u32 s9, $0xF7A;
	s5 =	simm.s32 @!p2 $0x0  }
0x1d: {  	s5 =	simm.s32 @p1 $0x1;
	p0 =	seq.s32 s7, s2  }
0x1e: {  	s7 =	smul.u32 @!p0 $0xF7A, s2;
	p2 =	seq.s32 @!p0 s5, $0x0  }
0x1f: {  	s9 =	smul.u32 $0xF7A, s1;
	s8 =	simm.s32 @!p0 $0x1BF5;
	p2 =	por !p2, p0  }
0x20: {  	[sflag:s8] =	ssyncset.s32 @!p0 $0xFFFFF086;
	s6 =	sadd.s32 @!p0 s3, s7;
	s7 =	simm.s32 @!p0 $0x108  }
0x21: {  	s3 =	sadd.s32 s3, s9;
	s6 =	sadd.s32 @!p0 $0x88, s6;
	s7 =	simm.s32 @p2 $0x1082  }
0x22: {  	[simem:s7], [sflag:s8] =	dma.local @!p0 [hbm:s6], $0xF7A  }
0x23: {  	s9 =	sor.u32 $0xD0000000, s2;
	s6 =	simm.s32 $0x108;
	_ =	swait.ge @!p0 [sflag:s8], $0x0  }
0x24: {  	s3 =	sadd.s32 $0x88, s3;
	s6 =	simm.s32 @!p1 $0x1082;
	[sflag:s4] =	ssyncset.s32 $0xFFFFF086  }
0x25: {  	[simem:s6], [sflag:s4] =	dma.local [hbm:s3], $0xF7A  }
0x26: {  	[smem:$0x3F9E] =	sst s1;
	(tag) =	ssettag s2;
	_ =	strace s9  }
0x27: {  	s1 =	sld [smem:$0x3FAE]  }
0x28: {  	s2 =	sld [smem:$0x3FAF]  }
0x29: {  	s4 =	sld [smem:$0x3FB1]  }
0x2a: {  	p0 =	seq.s32 s5, $0x0;
	s5 =	sld [smem:$0x3FB2]  }
0x2b: {  	s6 =	sld [smem:$0x3FB3]  }
0x2c: {  	s7 =	sld [smem:$0x3FB4]  }
0x2d: {  	s3 =	simm.s32 $0x108;
	s8 =	sld [smem:$0x3FB5]  }
0x2e: {  	s3 =	simm.s32 @!p0 $0x1082;
	s9 =	sld [smem:$0x3FB6]  }
0x2f: {  	lr =	sadd.s32 s0, s3;
	s0 =	sld [smem:$0x3FAD]  }
0x30: {  	s3 =	sld [smem:$0x3FB0]  }
0x31: {  	[smem:$0x3FB9] =	sst s10  }
0x32: {  	s10 =	sld [smem:$0x3FB7];
	_ =	sdelay $0x3  }
0x33: {  	p0 =	seq.s32 s10, $0x1;
	s10 =	sld [smem:$0x3FB9];
	_ =	sdelay $0x3  }
0x34: {  	[smem:$0x3FB9] =	sst s10  }
0x35: {  	s10 =	sld [smem:$0x3FB8];
	_ =	sdelay $0x3  }
0x36: {  	p1 =	seq.s32 s10, $0x1;
	s10 =	sld [smem:$0x3FB9];
	_ =	sdelay $0x3  }
0x37: {  	[smem:$0x3FB9] =	sst s10  }
0x38: {  	s10 =	sld [smem:$0x3FBA]  }
0x39: {  	_ = 	snop;
	(pc) =	sbr.ind lr, $3  }
0x3a: {  	_ = 	snop  }
0x3b: {  	_ = 	snop  }
0x3c: {  	p2 =	seq.s32 s10, $0x1;
	s10 =	sld [smem:$0x3FB9]  }
0x3d: {  	_ =	shalt  }
0x3e: {  	_ =	shalt  }
0x3f: {  	_ =	shalt  }
0x40: {  	_ =	shalt  }
0x41: {  	_ =	shalt  }
0x42: {  	_ =	shalt  }
0x43: {  	_ =	shalt  }
0x44: {  	_ =	shalt  }
0x45: {  	_ =	shalt  }
0x46: {  	_ =	shalt  }
0x47: {  	_ =	shalt  }
0x48: {  	_ =	shalt  }
0x49: {  	_ =	shalt  }
0x4a: {  	_ =	shalt  }
0x4b: {  	_ =	shalt  }
0x4c: {  	_ =	shalt  }
0x4d: {  	_ =	shalt  }
0x4e: {  	_ =	shalt  }
0x4f: {  	_ =	shalt  }
0x50: {  	_ =	shalt  }
0x51: {  	_ =	shalt  }
0x52: {  	_ =	shalt  }
0x53: {  	_ =	shalt  }
0x54: {  	_ =	shalt  }
0x55: {  	_ =	shalt  }
0x56: {  	_ =	shalt  }
0x57: {  	_ =	shalt  }
0x58: {  	_ =	shalt  }
0x59: {  	_ =	shalt  }
0x5a: {  	_ =	shalt  }
0x5b: {  	_ =	shalt  }
0x5c: {  	_ =	shalt  }
0x5d: {  	_ =	shalt  }
0x5e: {  	_ =	shalt  }
0x5f: {  	_ =	shalt  }
0x60: {  	_ =	shalt  }
0x61: {  	_ =	shalt  }
0x62: {  	_ =	shalt  }
0x63: {  	_ =	shalt  }
0x64: {  	_ =	shalt  }
0x65: {  	_ =	shalt  }
0x66: {  	_ =	shalt  }
0x67: {  	_ =	shalt  }
0x68: {  	_ =	shalt  }
0x69: {  	_ =	shalt  }
0x6a: {  	_ =	shalt  }
0x6b: {  	_ =	shalt  }
0x6c: {  	_ =	shalt  }
0x6d: {  	_ =	shalt  }
0x6e: {  	_ =	shalt  }
0x6f: {  	_ =	shalt  }
0x70: {  	_ =	shalt  }
0x71: {  	_ =	shalt  }
0x72: {  	_ =	shalt  }
0x73: {  	_ =	shalt  }
0x74: {  	_ =	shalt  }
0x75: {  	_ =	shalt  }
0x76: {  	_ =	shalt  }
0x77: {  	_ =	shalt  }
0x78: {  	_ =	shalt  }
0x79: {  	_ =	shalt  }
0x7a: {  	_ =	shalt  }
0x7b: {  	_ =	shalt  }
0x7c: {  	_ =	shalt  }
0x7d: {  	_ =	shalt  }
0x7e: {  	_ =	shalt  }
0x7f: {  	_ =	shalt  }
0x80: {  	_ =	shalt  }
0x81: {  	_ =	shalt  }
0x82: {  	_ =	shalt  }
0x83: {  	_ =	shalt  }
0x84: {  	_ =	shalt  }
0x85: {  	_ =	shalt  }
0x86: {  	_ =	shalt  }
0x87: {  	_ =	shalt  }
.Lfunc_end0:
.L_simem_size_0:
called_computation_lowered:
.L_overlay_start_0:
0x88: {  	s0 =	sld [smem:$0x3FD9]  }
0x89: {  	s1 =	sld [smem:$0x3FFE];
	_ =	sdelay $0x3  }
0x8a: {  	s0 =	sadd.s32 s1, s0  }
0x8b: {  	[smem:$0x3FC5] =	sst s0  }
0x8c: {  	_ = 	snop  }
0x8d: {  	s0 =	sld [smem:$0x3FC9]  }
0x8e: {  	s17 =	sld [smem:$0x3FC8]  }
0x8f: {  	s2 =	sld [smem:$0x3FC7]  }
0x90: {  	s3 =	sld [smem:$0x3FD0];
	(tm) =	ssettm $0x1  }
0x91: {  	s4 =	sld [smem:$0x3FFB];
	_ =	sdelay $0x3  }
0x92: {  	_ =	strace s4  }
0x93: {  	s4 =	sld [smem:$0x3FFC];
	_ =	sdelay $0x3  }
0x94: {  	_ =	strace s4  }
0x95: {  	s4 =	sld [smem:$0x3FFD];
	_ =	sdelay $0x3  }
0x96: {  	_ =	strace s4  }
0x97: {  	_ =	strace $0x8FFFFFFF  }
0x98: {  	s18 =	sld [smem:$0x3FDB];
	_ =	sdelay $0x1  }
0x99: {  	s5 =	simm.s32 $_scs_section_size  }
0x9a: {  	s6 =	simm.s32 $_size__tile_overlayer_lowered;
	s7 =	simm.s32 $_tile_overlayer_lowered  }
0x9b: {  	s21 =	simm.s32 $0x1BFF;
	s20 =	sshll.u32 s7, $0x1;
	s4 =	sadd.s32 s5, s18  }
0x9c: {  	s8 =	simm.s32 $0x0;
	s19 =	sshll.u32 s6, $0x1;
	s6 =	sadd.s32 s20, s4  }
0x9d: {  	[timem:s8], [sflag:s21] =	dma.local [hbm:s6], s19  }
0x9e: {  	_ =	swait.ge [sflag:s21], s19  }
0x9f: {  	s5 =	ssub.s32 $0x0, s19;
	[sflag:s21] =	ssyncset.done $0x0  }
0xa0: {  	[sflag:s21] =	ssyncadd.s32 s5;
	_ =	sdelay $0x1  }
0xa1: {  	s22 =	simm.s32 $0x1B8B  }
0xa2: {  	_ =	swait.ge [sflag:s22], $0x1  }
0xa3: {  	[sflag:s22] =	ssyncset.done $0x0  }
0xa4: {  	s23 =	simm.s32 $0x1B8E;
	[sflag:s22] =	ssyncadd.s32 $0xFFFFFFFF  }
0xa5: {  	s24 =	simm.s32 $execute0_lowered;
	[smem:$0x3FD2] =	sst s23  }
0xa6: {  	s5 =	sshll.u32 s24, $0x1;
	_ =	strace $0x80000046;
	[dreg:$0x1] =	wrdreg $0xFFFFFFFF  }
0xa7: {  	s25 =	simm.s32 $_size_execute0_lowered;
	s4 =	sadd.s32 s4, s5;
	[dreg:$0x0] =	wrdreg $0x0  }
0xa8: {  	s5 =	sshll.u32 s25, $0x1;
	[dreg:$0x2] =	wrdreg s4  }
0xa9: {  	[dreg:$0x3] =	wrdreg s5  }
0xaa: {  	[dreg:$0x4] =	wrdreg $0xC0  }
0xab: {  	_ =	task [dreg:s8], $0x5FFFF  }
0xac: {  	[dreg:$0x1] =	wrdreg $0xFFFFFFFF  }
0xad: {  	[dreg:$0x0] =	wrdreg $0x60  }
0xae: {  	[dreg:$0x2] =	wrdreg s0  }
0xaf: {  	[dreg:$0x3] =	wrdreg s17  }
0xb0: {  	[dreg:$0x4] =	wrdreg s2  }
0xb1: {  	[dreg:$0x5] =	wrdreg s3  }
0xb2: {  	[dreg:$0x6] =	wrdreg $0x9  }
0xb3: {  	_ =	task.clear_ibuf [dreg:s8], $0x7FFFF;
	_ =	strace $0x90000046  }
0xb4: {  	s26 =	simm.s32 $0x9;
	_ =	strace $0x80000048  }
0xb5: {  	_ =	swait.ge [sflag:s26], $0x1  }
0xb6: {  	[sflag:s26] =	ssyncadd.s32 $0xFFFFFFFF  }
0xb7: {  	_ =	strace $0x90000048  }
0xb8: {  	_ =	sfence  }
0xb9: {  	s28 =	sld [smem:$0x0];
	_ =	sdelay $0x1  }
0xba: {  	s29 =	srdreg.scid  }
0xbb: {  	s30 =	sshll.u32 s29, $0xD;
	s31 =	sshrl.u32 s29, $0x2  }
0xbc: {  	s1 =	sand.u32 $0x1, s29;
	s2 =	sand.u32 $0x4000, s30;
	s0 =	sadd.s32 s31, s28  }
0xbd: {  	s1 =	sor.u32 s2, s1;
	s0 =	sshll.u32 s0, $0x11  }
0xbe: {  	s0 =	sor.u32 s0, s1  }
0xbf: {  	s0 =	sadd.s32 $0x8F2B, s0  }
0xc0: {  	[sflag:s0] =	ssyncadd.remote.s32 $0x1  }
0xc1: {  	_ =	sfence.sel $0xFFFF  }
0xc2: {  	[dreg:$0x0] =	wrdreg $0xFFFFFFFF;
	(pc) =	sbr.abs _section_cstart, $3  }
0xc3: {  	[dreg:$0x1] =	wrdreg $0xFFFFFFFF  }
0xc4: {  	_ =	task.clear_ibuf [dreg:s8], $0x2FFFF;
	_ =	strace $0x9FFFFFFF  }
0xc5: {  	(tm) =	ssettm $0x7FFFFFFF  }
tec
execute0_lowered:
.L_overlay_start_1:
0x0: {  	(tag) =	ssettag $0x1  }
0x1: {  	s0 =	rddreg [dreg:$0x0]  }
0x2: {  	s1 =	rddreg [dreg:$0x1]  }
0x3: {  	s2 =	rddreg [dreg:$0x2]  }
0x4: {  	s3 =	rddreg [dreg:$0x3];
	s5 =	simm.s32 $0x0;
	s6 =	stileid.u32  }
0x5: {  	[smem:$0x7FF] =	sst s5;
	s7 =	sshll.u32 s6, $0x1  }
0x6: {  	s4 =	rddreg [dreg:$0x4];
	_ =	strace $0x80000047;
	s0 =	sadd.s32 s0, s7  }
0x7: {  	[tilespmem:s5], [sflag:$0x1] =	stream.linear.gather [hbm4b:s0+s5], $0x10, $0x38;
	[tilespmem:$0x280] =	vst v63  }
0x8: {  	s25 =	simm.s32 $0x80;
	s26 =	simm.s32 $0x1;
	s24 =	sadd.s32 s1, s7  }
0x9: {  	[tilespmem:s25], [sflag:$0x2] =	stream.linear.gather [hbm4b:s24+s5], $0x10, $0x38;
	[tilespmem:$0x280] =	vst v63  }
0xa: {  	_ =	swait.ge [sflag:s26], $0x10  }
0xb: {  	[sflag:s26] =	ssyncset.done $0x0  }
0xc: {  	s8 =	simm.s32 $0x2;
	[sflag:s26] =	ssyncadd.s32 $0xFFFFFFF0  }
0xd: {  	_ =	swait.ge [sflag:s8], $0x10  }
0xe: {  	[sflag:s8] =	ssyncset.done $0x0  }
0xf: {  	s9 =	simm.s32 $0x10;
	s10 =	simm.s32 $0x100;
	[sflag:s8] =	ssyncadd.s32 $0xFFFFFFF0  }
0x10: {  	[tilespmem:s10], [sflag:$0x1] =	stream.indirect.gather [hbm4b:s2+s9], $0x1, s5, s9, $0xb8;
	[tilespmem:$0x280] =	vst v63  }
0x11: {  	s28 =	simm.s32 $0x180  }
0x12: {  	[tilespmem:s28], [sflag:$0x2] =	stream.indirect.gather [hbm4b:s2+s9], $0x1, s25, s9, $0xb8;
	[tilespmem:$0x280] =	vst v63  }
0x13: {  	_ =	swait.ge [sflag:s26], $0x10  }
0x14: {  	[sflag:s26] =	ssyncset.done $0x0  }
0x15: {  	[sflag:s26] =	ssyncadd.s32 $0xFFFFFFF0  }
0x16: {  	_ =	swait.ge [sflag:s8], $0x10  }
0x17: {  	[sflag:s8] =	ssyncset.done $0x0  }
0x18: {  	[sflag:s8] =	ssyncadd.s32 $0xFFFFFFF0  }
0x19: {  	v0 =	vld [tilespmem:$0x100];
	_ =	sdelay $0x4  }
0x1a: {  	v0 =	vmul.f32 $3.906250000e-03, v0;
	_ =	sdelay $0x1  }
0x1b: {  	v1 =	vtrunc.f32 v0  }
0x1c: {  	v1 =	vcvt.f32.s32 v1;
	_ =	sdelay $0x1  }
0x1d: {  	v2 =	vld [tilespmem:$0x180];
	v1 =	vcvt.s32.f32 v1;
	_ =	sdelay $0x1  }
0x1e: {  	v3 =	vadd.f32 $-1.000000000e+00, v1  }
0x1f: {  	vm0 =	vlt.f32 v0, v1  }
0x20: {  	v0 =	vsel vm0, v3, v1  }
0x21: {  	v0 =	vadd.f32 v0, v2;
	_ =	sdelay $0x1  }
0x22: {  	s30 =	simm.s32 $0x200;
	s31 =	simm.s32 $0x3;
	s29 =	sadd.s32 s3, s7;
	[tilespmem:$0x200] =	vst v0  }
0x23: {  	[hbm4b:s29+s5] =	stream.linear.scatter [tilespmem:s30], [sflag:$0x3], $0x10, $0x38;
	[tilespmem:$0x280] =	vst v63  }
0x24: {  	_ =	swait.ge [sflag:s31], $0x10  }
0x25: {  	[sflag:s31] =	ssyncset.done $0x0  }
0x26: {  	[sflag:s31] =	ssyncadd.s32 $0xFFFFFFF0  }
0x27: {  	_ =	sfence.sel $0x180000  }
0x28: {  	[bflag:$0x0] =	sbarrier.arrive $0xFFFF  }
0x29: {  	p0 =	sne.s32 s6, $0x0;
	_ =	strace $0x90000047  }
0x2a: {  	s0 =	sadd.s32 @!p0 $0x100000, s4;
	[bflag:$0x2] =	sbarrier.arrive $0xFFFF  }
0x2b: {  	[sflag:s0] =	ssyncadd.tile.s32 @!p0 $0x1;
	_ =	shalt  }
.Lfunc_end2:
_tile_overlayer_lowered:
.L_overlay_start_2:
0x2c: {  	(tag) =	ssettag $0x2  }
0x2d: {  	s0 =	rddreg [dreg:$0x0];
	s2 =	stileid.u32  }
0x2e: {  	s1 =	rddreg [dreg:$0x1];
	p0 =	sne.s32 s2, $0x0  }
0x2f: {  	s3 =	rddreg [dreg:$0x2];
	[bflag:$0x3] =	sbarrier.arrive $0xFFFF;
	s2 =	simm.s32 @!p0 $0x1C03  }
0x30: {  	[timem:s3], [sflag:s2] =	dma.local @!p0 [hbm:s0], s1  }
0x31: {  	s0 =	simm.s32 @!p0 $0x3  }
0x32: {  	_ =	swait.ge @!p0 [sflag:s0], s1  }
0x33: {  	s1 =	ssub.s32 @!p0 $0x0, s1;
	[sflag:s0] =	ssyncset.done @!p0 $0x0  }
0x34: {  	[sflag:s0] =	ssyncadd.s32 @!p0 s1  }
0x35: {  	[bflag:$0x3] =	sbarrier.arrive $0xFFFF  }
0x36: {  	_ =	shalt  }

</sc_bundles>
